<compile_context>
chip_gen: v7x
topology: tpu7x:2x2x1
jax: 0.10.2.dev20260603
libtpu: 0.0.44.dev20260713+nightly
codegen_flags: <defaults>
</compile_context>

<pallas_src>
import functools

import jax
import jax.numpy as jnp
from jax import lax
from jax.experimental import pallas as pl
from jax.experimental.pallas import tpu as pltpu
from jax.experimental.pallas import tpu_sc as plsc

B = 1024
S = 50
OUT_W = 1100
RT = 138
CT = B // 128
L = 16
NC, NS = 2, 16
NW = NC * NS
CPW = B // NW
GROUPS = CPW // L

_mesh = plsc.VectorSubcoreMesh(core_axis_name="c", subcore_axis_name="s")


@functools.partial(
    pl.kernel,
    out_type=jax.ShapeDtypeStruct((RT, CT, 8, 128), jnp.float32),
    mesh=_mesh,
    scratch_types=[
        pltpu.VMEM((S, CPW), jnp.int32),
        pltpu.VMEM((RT, 8, CPW), jnp.float32),
        pltpu.SemaphoreType.DMA,
        pltpu.SemaphoreType.DMA,
    ],
    compiler_params=pltpu.CompilerParams(
        use_tc_tiling_on_sc=False, needs_layout_passes=False
    ),
)
def _bow_kernel(idx_hbm, out_hbm, idx_v, hist_v, in_sem, out_sem):
    wid = lax.axis_index("s") * NC + lax.axis_index("c")
    base = wid * CPW
    ct = base // 128
    ci0 = base % 128

    in_dma = pltpu.async_copy(idx_hbm.at[:, pl.ds(base, CPW)], idx_v, in_sem)

    zeros = jnp.zeros((L,), jnp.float32)

    @plsc.parallel_loop(0, RT * 8, step=1, unroll=8)
    def _zero(r):
        rt = r >> 3
        ri = r & 7
        hist_v[rt, ri, pl.ds(0, L)] = zeros
        hist_v[rt, ri, pl.ds(L, L)] = zeros

    in_dma.wait()

    ones = jnp.ones((L,), jnp.float32)
    lanes = lax.iota(jnp.int32, L)
    for g in range(GROUPS):
        cols = lanes + g * L

        @plsc.parallel_loop(0, S, step=1, unroll=5)
        def _step(t):
            tok = idx_v[t, pl.ds(g * L, L)]
            r = jnp.maximum(tok - 1, 0)
            plsc.addupdate_scatter(
                hist_v, [r >> 3, r & 7, cols], ones, mask=tok > 0
            )

    HALF = RT // 2
    top = pltpu.async_copy(
        hist_v.at[pl.ds(0, HALF)],
        out_hbm.at[pl.ds(0, HALF), ct, :, pl.ds(ci0, CPW)],
        out_sem,
    )
    pltpu.sync_copy(
        hist_v.at[pl.ds(HALF, RT - HALF)],
        out_hbm.at[pl.ds(HALF, RT - HALF), ct, :, pl.ds(ci0, CPW)],
    )
    top.wait()


def kernel(inputs):
    out4 = _bow_kernel(inputs.T)
    x = out4.transpose(0, 2, 1, 3).reshape(RT * 8, B)
    return x.T[:, :OUT_W]

# --- scband reference (transcript-rebuilt; emitter-appended) ---
"""Pipeline reference for scband-bag-of-words-22763326668852 (READ-ONLY COPY).

The authoritative reference and input builder live on the scoring server;
editing this copy changes nothing except your own understanding.
"""

import jax, jax.numpy as jnp
import numpy as np

N_TOKENS = 1101

def setup_inputs(seed: int = 0) -> dict:
    key = jax.random.key(seed)
    inputs = jax.random.randint(key, (1024, 50), 0, N_TOKENS, dtype=jnp.int32)
    return {"inputs": inputs}

def reference(inputs):
    # Faithful translation of BagOfWords.call:
    #   one_hot = tf.one_hot(inputs, n_tokens)
    #   return tf.reduce_sum(one_hot, axis=1)[:, 1:]
    one_hot = jax.nn.one_hot(inputs, N_TOKENS, dtype=jnp.float32)
    return jnp.sum(one_hot, axis=1)[:, 1:]

if __name__ == "__main__":
    import jax
    _d = setup_inputs()
    print(jax.jit(kernel)(*tuple(_d.values())))

</pallas_src>

<mosaic_0001>
#map = affine_map<(d0, d1) -> (0, 0)>
#map1 = affine_map<(d0, d1) -> (0, 0, 0, 0)>
module attributes {stable_mosaic.version = 14 : i64} {
  func.func @_bow_kernel(%arg0: i32, %arg1: i32, %arg2: memref<50x1024xi32, #tpu.memory_space<hbm>>, %arg3: memref<138x8x8x128xf32, #tpu.memory_space<hbm>>, %arg4: memref<50x32xi32, #tpu.memory_space<vmem>>, %arg5: memref<138x8x32xf32, #tpu.memory_space<vmem>>, %arg6: memref<!tpu.dma_semaphore, #tpu.memory_space<semaphore_mem>>, %arg7: memref<!tpu.dma_semaphore, #tpu.memory_space<semaphore_mem>>) attributes {dimension_semantics = [#tpu.dimension_semantics<core_parallel>, #tpu.dimension_semantics<subcore_parallel>], iteration_bounds = array<i64: 2, 16>, scalar_prefetch = 0 : i64, scratch_operands = 4 : i64, tpu.core_type = #tpu.core_type<sc_vector_subcore>, window_params = [{transform_indices = #map}, {transform_indices = #map1}]} {
    %mul3A = arith.constant 2 : i32
    %mul3A_0 = arith.muli %arg1, %mul3A : i32
    %add3A = arith.addi %mul3A_0, %arg0 : i32
    %mul3A_1 = arith.constant 32 : i32
    %mul3A_2 = arith.muli %add3A, %mul3A_1 : i32
    %jit3A = arith.constant 128 : i32
    %div3A = arith.divsi %mul3A_2, %jit3A : i32
    %sign3A = arith.constant 0 : i32
    %sign3A_3 = arith.cmpi sgt, %mul3A_2, %sign3A : i32
    %sign3A_4 = arith.extui %sign3A_3 : i1 to i32
    %sign3A_5 = arith.constant 0 : i32
    %sign3A_6 = arith.cmpi slt, %mul3A_2, %sign3A_5 : i32
    %sign3A_7 = arith.extui %sign3A_6 : i1 to i32
    %sign3A_8 = arith.subi %sign3A_4, %sign3A_7 : i32
    %sign3A_9 = arith.constant 0 : i32
    %sign3A_10 = arith.cmpi sgt, %jit3A, %sign3A_9 : i32
    %sign3A_11 = arith.extui %sign3A_10 : i1 to i32
    %sign3A_12 = arith.constant 0 : i32
    %sign3A_13 = arith.cmpi slt, %jit3A, %sign3A_12 : i32
    %sign3A_14 = arith.extui %sign3A_13 : i1 to i32
    %sign3A_15 = arith.subi %sign3A_11, %sign3A_14 : i32
    %ne3A = arith.cmpi ne, %sign3A_8, %sign3A_15 : i32
    %rem3A = arith.remsi %mul3A_2, %jit3A : i32
    %ne3A_16 = arith.constant 0 : i32
    %ne3A_17 = arith.cmpi ne, %rem3A, %ne3A_16 : i32
    %and3A = arith.andi %ne3A, %ne3A_17 : i1
    %sub3A = arith.constant 1 : i32
    %sub3A_18 = arith.subi %div3A, %sub3A : i32
    %select_n3A = arith.select %and3A, %sub3A_18, %div3A : i32
    %jit3A_19 = arith.constant 128 : i32
    %eq3A = arith.constant 0 : i32
    %eq3A_20 = arith.cmpi eq, %jit3A_19, %eq3A : i32
    %jit3A_21 = arith.constant 1 : i32
    %select_n3A_22 = arith.select %eq3A_20, %jit3A_21, %jit3A_19 : i32
    %rem3A_23 = arith.remsi %mul3A_2, %select_n3A_22 : i32
    %ne3A_24 = arith.constant 0 : i32
    %ne3A_25 = arith.cmpi ne, %rem3A_23, %ne3A_24 : i32
    %lt3A = arith.constant 0 : i32
    %lt3A_26 = arith.cmpi slt, %rem3A_23, %lt3A : i32
    %lt3A_27 = arith.constant 0 : i32
    %lt3A_28 = arith.cmpi slt, %select_n3A_22, %lt3A_27 : i32
    %ne3A_29 = arith.xori %lt3A_26, %lt3A_28 : i1
    %and3A_30 = arith.andi %ne3A_29, %ne3A_25 : i1
    %add3A_31 = arith.addi %rem3A_23, %select_n3A_22 : i32
    %select_n3A_32 = arith.select %and3A_30, %add3A_31, %rem3A_23 : i32
    %dma_start3A = arith.constant 0 : i32
    %dma_start3A_33 = tpu.memref_slice %arg2[%dma_start3A, %mul3A_2] : memref<50x1024xi32, #tpu.memory_space<hbm>> -> memref<50x32xi32, #tpu.memory_space<hbm>>
    %dma_start3A_34 = arith.constant 0 : i32
    %dma_start3A_35 = tpu.memref_slice %arg2[%dma_start3A_34, %mul3A_2] : memref<50x1024xi32, #tpu.memory_space<hbm>> -> memref<50x32xi32, #tpu.memory_space<hbm>>
    tpu.enqueue_dma source(%dma_start3A_35 : memref<50x32xi32, #tpu.memory_space<hbm>>) target(%arg4 : memref<50x32xi32, #tpu.memory_space<vmem>>) target_semaphore(%arg6 : memref<!tpu.dma_semaphore, #tpu.memory_space<semaphore_mem>>)
    %broadcast_in_dim3A = arith.constant 0.000000e+00 : f32
    %broadcast_in_dim3A_36 = vector.broadcast %broadcast_in_dim3A : f32 to vector<16xf32>
    %parallel_loop3A = arith.constant 0 : i32
    %parallel_loop3A_37 = arith.constant 1104 : i32
    %parallel_loop3A_38 = arith.constant 1 : i32
    scf.for %parallel_loop3A_88 = %parallel_loop3A to %parallel_loop3A_37 step %parallel_loop3A_38  : i32 {
      %parallel_loop3A_89 = arith.constant 3 : i32
      %parallel_loop3A_90 = arith.shrsi %parallel_loop3A_88, %parallel_loop3A_89 : i32
      %parallel_loop3A_91 = arith.constant 7 : i32
      %parallel_loop3A_92 = arith.andi %parallel_loop3A_88, %parallel_loop3A_91 : i32
      %parallel_loop3A_93 = arith.index_cast %parallel_loop3A_90 : i32 to index
      %parallel_loop3A_94 = arith.index_cast %parallel_loop3A_92 : i32 to index
      %parallel_loop3A_95 = arith.constant 0 : index
      %parallel_loop3A_96 = tpu.vector_load %arg5[%parallel_loop3A_93, %parallel_loop3A_94, %parallel_loop3A_95] {strides = array<i32>} : memref<138x8x32xf32, #tpu.memory_space<vmem>>, vector<16xf32>,
      tpu.vector_store %arg5[%parallel_loop3A_93, %parallel_loop3A_94, %parallel_loop3A_95], %broadcast_in_dim3A_36 {strides = array<i32>} : memref<138x8x32xf32, #tpu.memory_space<vmem>>, vector<16xf32>,
      %parallel_loop3A_97 = arith.index_cast %parallel_loop3A_90 : i32 to index
      %parallel_loop3A_98 = arith.index_cast %parallel_loop3A_92 : i32 to index
      %parallel_loop3A_99 = arith.constant 16 : index
      %parallel_loop3A_100 = tpu.vector_load %arg5[%parallel_loop3A_97, %parallel_loop3A_98, %parallel_loop3A_99] {strides = array<i32>} : memref<138x8x32xf32, #tpu.memory_space<vmem>>, vector<16xf32>,
      tpu.vector_store %arg5[%parallel_loop3A_97, %parallel_loop3A_98, %parallel_loop3A_99], %broadcast_in_dim3A_36 {strides = array<i32>} : memref<138x8x32xf32, #tpu.memory_space<vmem>>, vector<16xf32>,
    } {sc.loop_unroll_factor = 8 : i64, sc.parallel_access}
    %dma_wait3A = arith.constant 0 : i32
    %dma_wait3A_39 = tpu.memref_slice %arg2[%dma_wait3A, %mul3A_2] : memref<50x1024xi32, #tpu.memory_space<hbm>> -> memref<50x32xi32, #tpu.memory_space<hbm>>
    %dma_wait3A_40 = arith.constant 0 : i32
    %dma_wait3A_41 = tpu.memref_slice %arg2[%dma_wait3A_40, %mul3A_2] : memref<50x1024xi32, #tpu.memory_space<hbm>> -> memref<50x32xi32, #tpu.memory_space<hbm>>
    tpu.wait_dma2 semaphore(%arg6 : memref<!tpu.dma_semaphore, #tpu.memory_space<semaphore_mem>>) src(%dma_wait3A_41 : memref<50x32xi32, #tpu.memory_space<hbm>>) dst(%arg4 : memref<50x32xi32, #tpu.memory_space<vmem>>)
    %broadcast_in_dim3A_42 = arith.constant 1.000000e+00 : f32
    %broadcast_in_dim3A_43 = vector.broadcast %broadcast_in_dim3A_42 : f32 to vector<16xf32>
    %iota3A = tpu.iota {dimensions = array<i32: 0>} : vector<16xi32>
    %add3A_44 = arith.constant 0 : i32
    %add3A_45 = vector.broadcast %add3A_44 : i32 to vector<16xi32>
    %add3A_46 = arith.addi %iota3A, %add3A_45 : vector<16xi32>
    %parallel_loop3A_47 = arith.constant 0 : i32
    %parallel_loop3A_48 = arith.constant 50 : i32
    %parallel_loop3A_49 = arith.constant 1 : i32
    scf.for %parallel_loop3A_88 = %parallel_loop3A_47 to %parallel_loop3A_48 step %parallel_loop3A_49  : i32 {
      %parallel_loop3A_89 = arith.index_cast %parallel_loop3A_88 : i32 to index
      %parallel_loop3A_90 = arith.constant 0 : index
      %parallel_loop3A_91 = tpu.vector_load %arg4[%parallel_loop3A_89, %parallel_loop3A_90] {strides = array<i32>} : memref<50x32xi32, #tpu.memory_space<vmem>>, vector<16xi32>,
      %parallel_loop3A_92 = arith.constant 1 : i32
      %parallel_loop3A_93 = vector.broadcast %parallel_loop3A_92 : i32 to vector<16xi32>
      %parallel_loop3A_94 = arith.subi %parallel_loop3A_91, %parallel_loop3A_93 : vector<16xi32>
      %parallel_loop3A_95 = arith.constant 0 : i32
      %parallel_loop3A_96 = vector.broadcast %parallel_loop3A_95 : i32 to vector<16xi32>
      %parallel_loop3A_97 = arith.maxsi %parallel_loop3A_94, %parallel_loop3A_96 : vector<16xi32>
      %parallel_loop3A_98 = arith.constant 3 : i32
      %parallel_loop3A_99 = vector.broadcast %parallel_loop3A_98 : i32 to vector<16xi32>
      %parallel_loop3A_100 = arith.shrsi %parallel_loop3A_97, %parallel_loop3A_99 : vector<16xi32>
      %parallel_loop3A_101 = arith.constant 7 : i32
      %parallel_loop3A_102 = vector.broadcast %parallel_loop3A_101 : i32 to vector<16xi32>
      %parallel_loop3A_103 = arith.andi %parallel_loop3A_97, %parallel_loop3A_102 : vector<16xi32>
      %parallel_loop3A_104 = arith.constant 0 : i32
      %parallel_loop3A_105 = vector.broadcast %parallel_loop3A_104 : i32 to vector<16xi32>
      %parallel_loop3A_106 = arith.cmpi sgt, %parallel_loop3A_91, %parallel_loop3A_105 : vector<16xi32>
      tpu.vector_store_idx %arg5[%parallel_loop3A_100, %parallel_loop3A_103, %add3A_46], %broadcast_in_dim3A_43 masked %parallel_loop3A_106 {add = true} : memref<138x8x32xf32, #tpu.memory_space<vmem>>[vector<16xi32>, vector<16xi32>, vector<16xi32>], vector<16xf32>, vector<16xi1>
    } {sc.loop_unroll_factor = 5 : i64, sc.parallel_access}
    %add3A_50 = arith.constant 16 : i32
    %add3A_51 = vector.broadcast %add3A_50 : i32 to vector<16xi32>
    %add3A_52 = arith.addi %iota3A, %add3A_51 : vector<16xi32>
    %parallel_loop3A_53 = arith.constant 0 : i32
    %parallel_loop3A_54 = arith.constant 50 : i32
    %parallel_loop3A_55 = arith.constant 1 : i32
    scf.for %parallel_loop3A_88 = %parallel_loop3A_53 to %parallel_loop3A_54 step %parallel_loop3A_55  : i32 {
      %parallel_loop3A_89 = arith.index_cast %parallel_loop3A_88 : i32 to index
      %parallel_loop3A_90 = arith.constant 16 : index
      %parallel_loop3A_91 = tpu.vector_load %arg4[%parallel_loop3A_89, %parallel_loop3A_90] {strides = array<i32>} : memref<50x32xi32, #tpu.memory_space<vmem>>, vector<16xi32>,
      %parallel_loop3A_92 = arith.constant 1 : i32
      %parallel_loop3A_93 = vector.broadcast %parallel_loop3A_92 : i32 to vector<16xi32>
      %parallel_loop3A_94 = arith.subi %parallel_loop3A_91, %parallel_loop3A_93 : vector<16xi32>
      %parallel_loop3A_95 = arith.constant 0 : i32
      %parallel_loop3A_96 = vector.broadcast %parallel_loop3A_95 : i32 to vector<16xi32>
      %parallel_loop3A_97 = arith.maxsi %parallel_loop3A_94, %parallel_loop3A_96 : vector<16xi32>
      %parallel_loop3A_98 = arith.constant 3 : i32
      %parallel_loop3A_99 = vector.broadcast %parallel_loop3A_98 : i32 to vector<16xi32>
      %parallel_loop3A_100 = arith.shrsi %parallel_loop3A_97, %parallel_loop3A_99 : vector<16xi32>
      %parallel_loop3A_101 = arith.constant 7 : i32
      %parallel_loop3A_102 = vector.broadcast %parallel_loop3A_101 : i32 to vector<16xi32>
      %parallel_loop3A_103 = arith.andi %parallel_loop3A_97, %parallel_loop3A_102 : vector<16xi32>
      %parallel_loop3A_104 = arith.constant 0 : i32
      %parallel_loop3A_105 = vector.broadcast %parallel_loop3A_104 : i32 to vector<16xi32>
      %parallel_loop3A_106 = arith.cmpi sgt, %parallel_loop3A_91, %parallel_loop3A_105 : vector<16xi32>
      tpu.vector_store_idx %arg5[%parallel_loop3A_100, %parallel_loop3A_103, %add3A_52], %broadcast_in_dim3A_43 masked %parallel_loop3A_106 {add = true} : memref<138x8x32xf32, #tpu.memory_space<vmem>>[vector<16xi32>, vector<16xi32>, vector<16xi32>], vector<16xf32>, vector<16xi1>
    } {sc.loop_unroll_factor = 5 : i64, sc.parallel_access}
    %dma_start3A_56 = arith.constant 0 : i32
    %dma_start3A_57 = arith.constant 0 : i32
    %dma_start3A_58 = arith.constant 0 : i32
    %dma_start3A_59 = tpu.memref_slice %arg5[%dma_start3A_56, %dma_start3A_57, %dma_start3A_58] : memref<138x8x32xf32, #tpu.memory_space<vmem>> -> memref<69x8x32xf32, #tpu.memory_space<vmem>>
    %dma_start3A_60 = arith.constant 0 : i32
    %dma_start3A_61 = arith.constant 0 : i32
    %dma_start3A_62 = tpu.memref_slice %arg3[%dma_start3A_60, %select_n3A, %dma_start3A_61, %select_n3A_32] : memref<138x8x8x128xf32, #tpu.memory_space<hbm>> -> memref<69x1x8x32xf32, #tpu.memory_space<hbm>>
    %dma_start3A_63 = tpu.memref_squeeze %dma_start3A_62 : memref<69x1x8x32xf32, #tpu.memory_space<hbm>> -> memref<69x8x32xf32, #tpu.memory_space<hbm>>
    %dma_start3A_64 = arith.constant 0 : i32
    %dma_start3A_65 = arith.constant 0 : i32
    %dma_start3A_66 = tpu.memref_slice %arg3[%dma_start3A_64, %select_n3A, %dma_start3A_65, %select_n3A_32] : memref<138x8x8x128xf32, #tpu.memory_space<hbm>> -> memref<69x1x8x32xf32, #tpu.memory_space<hbm>>
    %dma_start3A_67 = tpu.memref_squeeze %dma_start3A_66 : memref<69x1x8x32xf32, #tpu.memory_space<hbm>> -> memref<69x8x32xf32, #tpu.memory_space<hbm>>
    %dma_start3A_68 = arith.constant 0 : i32
    %dma_start3A_69 = arith.constant 0 : i32
    %dma_start3A_70 = arith.constant 0 : i32
    %dma_start3A_71 = tpu.memref_slice %arg5[%dma_start3A_68, %dma_start3A_69, %dma_start3A_70] : memref<138x8x32xf32, #tpu.memory_space<vmem>> -> memref<69x8x32xf32, #tpu.memory_space<vmem>>
    tpu.enqueue_dma source(%dma_start3A_71 : memref<69x8x32xf32, #tpu.memory_space<vmem>>) target(%dma_start3A_67 : memref<69x8x32xf32, #tpu.memory_space<hbm>>) target_semaphore(%arg7 : memref<!tpu.dma_semaphore, #tpu.memory_space<semaphore_mem>>)
    "tpu.region"() ({
      %run_scoped3A = tpu.sem_alloc : memref<!tpu.dma_semaphore, #tpu.memory_space<semaphore_mem>>
      %dma_start3A_88 = arith.constant 69 : i32
      %dma_start3A_89 = arith.constant 0 : i32
      %dma_start3A_90 = arith.constant 0 : i32
      %dma_start3A_91 = tpu.memref_slice %arg5[%dma_start3A_88, %dma_start3A_89, %dma_start3A_90] : memref<138x8x32xf32, #tpu.memory_space<vmem>> -> memref<69x8x32xf32, #tpu.memory_space<vmem>>
      %dma_start3A_92 = arith.constant 69 : i32
      %dma_start3A_93 = arith.constant 0 : i32
      %dma_start3A_94 = tpu.memref_slice %arg3[%dma_start3A_92, %select_n3A, %dma_start3A_93, %select_n3A_32] : memref<138x8x8x128xf32, #tpu.memory_space<hbm>> -> memref<69x1x8x32xf32, #tpu.memory_space<hbm>>
      %dma_start3A_95 = tpu.memref_squeeze %dma_start3A_94 : memref<69x1x8x32xf32, #tpu.memory_space<hbm>> -> memref<69x8x32xf32, #tpu.memory_space<hbm>>
      %dma_start3A_96 = arith.constant 69 : i32
      %dma_start3A_97 = arith.constant 0 : i32
      %dma_start3A_98 = tpu.memref_slice %arg3[%dma_start3A_96, %select_n3A, %dma_start3A_97, %select_n3A_32] : memref<138x8x8x128xf32, #tpu.memory_space<hbm>> -> memref<69x1x8x32xf32, #tpu.memory_space<hbm>>
      %dma_start3A_99 = tpu.memref_squeeze %dma_start3A_98 : memref<69x1x8x32xf32, #tpu.memory_space<hbm>> -> memref<69x8x32xf32, #tpu.memory_space<hbm>>
      %dma_start3A_100 = arith.constant 69 : i32
      %dma_start3A_101 = arith.constant 0 : i32
      %dma_start3A_102 = arith.constant 0 : i32
      %dma_start3A_103 = tpu.memref_slice %arg5[%dma_start3A_100, %dma_start3A_101, %dma_start3A_102] : memref<138x8x32xf32, #tpu.memory_space<vmem>> -> memref<69x8x32xf32, #tpu.memory_space<vmem>>
      tpu.enqueue_dma source(%dma_start3A_103 : memref<69x8x32xf32, #tpu.memory_space<vmem>>) target(%dma_start3A_99 : memref<69x8x32xf32, #tpu.memory_space<hbm>>) target_semaphore(%run_scoped3A : memref<!tpu.dma_semaphore, #tpu.memory_space<semaphore_mem>>)
      %dma_wait3A_104 = arith.constant 69 : i32
      %dma_wait3A_105 = arith.constant 0 : i32
      %dma_wait3A_106 = arith.constant 0 : i32
      %dma_wait3A_107 = tpu.memref_slice %arg5[%dma_wait3A_104, %dma_wait3A_105, %dma_wait3A_106] : memref<138x8x32xf32, #tpu.memory_space<vmem>> -> memref<69x8x32xf32, #tpu.memory_space<vmem>>
      %dma_wait3A_108 = arith.constant 69 : i32
      %dma_wait3A_109 = arith.constant 0 : i32
      %dma_wait3A_110 = tpu.memref_slice %arg3[%dma_wait3A_108, %select_n3A, %dma_wait3A_109, %select_n3A_32] : memref<138x8x8x128xf32, #tpu.memory_space<hbm>> -> memref<69x1x8x32xf32, #tpu.memory_space<hbm>>
      %dma_wait3A_111 = tpu.memref_squeeze %dma_wait3A_110 : memref<69x1x8x32xf32, #tpu.memory_space<hbm>> -> memref<69x8x32xf32, #tpu.memory_space<hbm>>
      %dma_wait3A_112 = arith.constant 69 : i32
      %dma_wait3A_113 = arith.constant 0 : i32
      %dma_wait3A_114 = tpu.memref_slice %arg3[%dma_wait3A_112, %select_n3A, %dma_wait3A_113, %select_n3A_32] : memref<138x8x8x128xf32, #tpu.memory_space<hbm>> -> memref<69x1x8x32xf32, #tpu.memory_space<hbm>>
      %dma_wait3A_115 = tpu.memref_squeeze %dma_wait3A_114 : memref<69x1x8x32xf32, #tpu.memory_space<hbm>> -> memref<69x8x32xf32, #tpu.memory_space<hbm>>
      %dma_wait3A_116 = arith.constant 69 : i32
      %dma_wait3A_117 = arith.constant 0 : i32
      %dma_wait3A_118 = arith.constant 0 : i32
      %dma_wait3A_119 = tpu.memref_slice %arg5[%dma_wait3A_116, %dma_wait3A_117, %dma_wait3A_118] : memref<138x8x32xf32, #tpu.memory_space<vmem>> -> memref<69x8x32xf32, #tpu.memory_space<vmem>>
      tpu.wait_dma2 semaphore(%run_scoped3A : memref<!tpu.dma_semaphore, #tpu.memory_space<semaphore_mem>>) src(%dma_wait3A_119 : memref<69x8x32xf32, #tpu.memory_space<vmem>>) dst(%dma_wait3A_115 : memref<69x8x32xf32, #tpu.memory_space<hbm>>)
      tpu.yield
    }) : () -> ()
    %dma_wait3A_72 = arith.constant 0 : i32
    %dma_wait3A_73 = arith.constant 0 : i32
    %dma_wait3A_74 = arith.constant 0 : i32
    %dma_wait3A_75 = tpu.memref_slice %arg5[%dma_wait3A_72, %dma_wait3A_73, %dma_wait3A_74] : memref<138x8x32xf32, #tpu.memory_space<vmem>> -> memref<69x8x32xf32, #tpu.memory_space<vmem>>
    %dma_wait3A_76 = arith.constant 0 : i32
    %dma_wait3A_77 = arith.constant 0 : i32
    %dma_wait3A_78 = tpu.memref_slice %arg3[%dma_wait3A_76, %select_n3A, %dma_wait3A_77, %select_n3A_32] : memref<138x8x8x128xf32, #tpu.memory_space<hbm>> -> memref<69x1x8x32xf32, #tpu.memory_space<hbm>>
    %dma_wait3A_79 = tpu.memref_squeeze %dma_wait3A_78 : memref<69x1x8x32xf32, #tpu.memory_space<hbm>> -> memref<69x8x32xf32, #tpu.memory_space<hbm>>
    %dma_wait3A_80 = arith.constant 0 : i32
    %dma_wait3A_81 = arith.constant 0 : i32
    %dma_wait3A_82 = tpu.memref_slice %arg3[%dma_wait3A_80, %select_n3A, %dma_wait3A_81, %select_n3A_32] : memref<138x8x8x128xf32, #tpu.memory_space<hbm>> -> memref<69x1x8x32xf32, #tpu.memory_space<hbm>>
    %dma_wait3A_83 = tpu.memref_squeeze %dma_wait3A_82 : memref<69x1x8x32xf32, #tpu.memory_space<hbm>> -> memref<69x8x32xf32, #tpu.memory_space<hbm>>
    %dma_wait3A_84 = arith.constant 0 : i32
    %dma_wait3A_85 = arith.constant 0 : i32
    %dma_wait3A_86 = arith.constant 0 : i32
    %dma_wait3A_87 = tpu.memref_slice %arg5[%dma_wait3A_84, %dma_wait3A_85, %dma_wait3A_86] : memref<138x8x32xf32, #tpu.memory_space<vmem>> -> memref<69x8x32xf32, #tpu.memory_space<vmem>>
    tpu.wait_dma2 semaphore(%arg7 : memref<!tpu.dma_semaphore, #tpu.memory_space<semaphore_mem>>) src(%dma_wait3A_87 : memref<69x8x32xf32, #tpu.memory_space<vmem>>) dst(%dma_wait3A_83 : memref<69x8x32xf32, #tpu.memory_space<hbm>>)
    return
  }
}

</mosaic_0001>

<sc_bundles>
// kernel: kernel.3.cloned.1.call-start
scs
__scs_entry_jumppad:
0x0: {  	(pc) =	sbr.rel $0x88, $3  }
0x1: {  	(tag) =	ssettag $0x0;
	lr =	simm.s32 $0x1  }
0x2: {  	[smem:$0x3FA0] =	sst lr;
	_ =	strace $0xD0000000  }
0x3: {  	_ = 	snop  }
0x4: {  	_ = 	snop  }
0x5: {  	_ = 	snop  }
0x6: {  	_ = 	snop  }
0x7: {  	_ = 	snop  }
__scs_overlays_trampoline_lowered:
0x8: {  	[smem:$0x3FAF] =	sst s0  }
0x9: {  	[smem:$0x3FB0] =	sst s1  }
0xa: {  	[smem:$0x3FB1] =	sst s2  }
0xb: {  	[smem:$0x3FB2] =	sst s3  }
0xc: {  	[smem:$0x3FB3] =	sst s4  }
0xd: {  	[smem:$0x3FB4] =	sst s5  }
0xe: {  	[smem:$0x3FB5] =	sst s6  }
0xf: {  	[smem:$0x3FB6] =	sst s7  }
0x10: {  	[smem:$0x3FB7] =	sst s8  }
0x11: {  	[smem:$0x3FB8] =	sst s9;
	s0 =	simm.s32 @!p0 $0x0  }
0x12: {  	s1 =	sld [smem:$0x3F9E];
	s0 =	simm.s32 @p0 $0x1  }
0x13: {  	[smem:$0x3FB9] =	sst s0;
	s0 =	simm.s32 @!p1 $0x0  }
0x14: {  	s2 =	sld [smem:$0x3F9D];
	s0 =	simm.s32 @p1 $0x1  }
0x15: {  	[smem:$0x3FBA] =	sst s0;
	s0 =	simm.s32 @!p2 $0x0  }
0x16: {  	s3 =	sld [smem:$0x3FDB];
	s0 =	simm.s32 @p2 $0x1  }
0x17: {  	s4 =	simm.s32 $0x1BF5;
	[smem:$0x3FBC] =	sst s0  }
0x18: {  	s0 =	sld [smem:$0x3F9F];
	_ =	swait.ge [sflag:s4], $0x0  }
0x19: {  	s7 =	sld [smem:$0x3FA0]  }
0x1a: {  	s8 =	sadd.s32 $0xFFFFE003, lr  }
0x1b: {  	s9 =	sadd.s32 $0xFFFFFEF7, lr;
	s5 =	simm.s32 $0xFFFFFFFF;
	p2 =	slt.u32 s8, $0xFFFFF086  }
0x1c: {  	p1 =	slt.u32 s9, $0xF7A;
	s5 =	simm.s32 @!p2 $0x0  }
0x1d: {  	s5 =	simm.s32 @p1 $0x1;
	p0 =	seq.s32 s7, s2  }
0x1e: {  	s7 =	smul.u32 @!p0 $0xF7A, s2;
	p2 =	seq.s32 @!p0 s5, $0x0  }
0x1f: {  	s9 =	smul.u32 $0xF7A, s1;
	s8 =	simm.s32 @!p0 $0x1BF5;
	p2 =	por !p2, p0  }
0x20: {  	[sflag:s8] =	ssyncset.s32 @!p0 $0xFFFFF086;
	s6 =	sadd.s32 @!p0 s3, s7;
	s7 =	simm.s32 @!p0 $0x108  }
0x21: {  	s3 =	sadd.s32 s3, s9;
	s6 =	sadd.s32 @!p0 $0x88, s6;
	s7 =	simm.s32 @p2 $0x1082  }
0x22: {  	[simem:s7], [sflag:s8] =	dma.local @!p0 [hbm:s6], $0xF7A  }
0x23: {  	s9 =	sor.u32 $0xD0000000, s2;
	s6 =	simm.s32 $0x108;
	_ =	swait.ge @!p0 [sflag:s8], $0x0  }
0x24: {  	s3 =	sadd.s32 $0x88, s3;
	s6 =	simm.s32 @!p1 $0x1082;
	[sflag:s4] =	ssyncset.s32 $0xFFFFF086  }
0x25: {  	[simem:s6], [sflag:s4] =	dma.local [hbm:s3], $0xF7A  }
0x26: {  	[smem:$0x3FA0] =	sst s1;
	(tag) =	ssettag s2;
	_ =	strace s9  }
0x27: {  	s1 =	sld [smem:$0x3FB0]  }
0x28: {  	s2 =	sld [smem:$0x3FB1]  }
0x29: {  	s4 =	sld [smem:$0x3FB3]  }
0x2a: {  	p0 =	seq.s32 s5, $0x0;
	s5 =	sld [smem:$0x3FB4]  }
0x2b: {  	s6 =	sld [smem:$0x3FB5]  }
0x2c: {  	s7 =	sld [smem:$0x3FB6]  }
0x2d: {  	s3 =	simm.s32 $0x108;
	s8 =	sld [smem:$0x3FB7]  }
0x2e: {  	s3 =	simm.s32 @!p0 $0x1082;
	s9 =	sld [smem:$0x3FB8]  }
0x2f: {  	lr =	sadd.s32 s0, s3;
	s0 =	sld [smem:$0x3FAF]  }
0x30: {  	s3 =	sld [smem:$0x3FB2]  }
0x31: {  	[smem:$0x3FBB] =	sst s10  }
0x32: {  	s10 =	sld [smem:$0x3FB9];
	_ =	sdelay $0x3  }
0x33: {  	p0 =	seq.s32 s10, $0x1;
	s10 =	sld [smem:$0x3FBB];
	_ =	sdelay $0x3  }
0x34: {  	[smem:$0x3FBB] =	sst s10  }
0x35: {  	s10 =	sld [smem:$0x3FBA];
	_ =	sdelay $0x3  }
0x36: {  	p1 =	seq.s32 s10, $0x1;
	s10 =	sld [smem:$0x3FBB];
	_ =	sdelay $0x3  }
0x37: {  	[smem:$0x3FBB] =	sst s10  }
0x38: {  	s10 =	sld [smem:$0x3FBC]  }
0x39: {  	_ = 	snop;
	(pc) =	sbr.ind lr, $3  }
0x3a: {  	_ = 	snop  }
0x3b: {  	_ = 	snop  }
0x3c: {  	p2 =	seq.s32 s10, $0x1;
	s10 =	sld [smem:$0x3FBB]  }
0x3d: {  	_ =	shalt  }
0x3e: {  	_ =	shalt  }
0x3f: {  	_ =	shalt  }
0x40: {  	_ =	shalt  }
0x41: {  	_ =	shalt  }
0x42: {  	_ =	shalt  }
0x43: {  	_ =	shalt  }
0x44: {  	_ =	shalt  }
0x45: {  	_ =	shalt  }
0x46: {  	_ =	shalt  }
0x47: {  	_ =	shalt  }
0x48: {  	_ =	shalt  }
0x49: {  	_ =	shalt  }
0x4a: {  	_ =	shalt  }
0x4b: {  	_ =	shalt  }
0x4c: {  	_ =	shalt  }
0x4d: {  	_ =	shalt  }
0x4e: {  	_ =	shalt  }
0x4f: {  	_ =	shalt  }
0x50: {  	_ =	shalt  }
0x51: {  	_ =	shalt  }
0x52: {  	_ =	shalt  }
0x53: {  	_ =	shalt  }
0x54: {  	_ =	shalt  }
0x55: {  	_ =	shalt  }
0x56: {  	_ =	shalt  }
0x57: {  	_ =	shalt  }
0x58: {  	_ =	shalt  }
0x59: {  	_ =	shalt  }
0x5a: {  	_ =	shalt  }
0x5b: {  	_ =	shalt  }
0x5c: {  	_ =	shalt  }
0x5d: {  	_ =	shalt  }
0x5e: {  	_ =	shalt  }
0x5f: {  	_ =	shalt  }
0x60: {  	_ =	shalt  }
0x61: {  	_ =	shalt  }
0x62: {  	_ =	shalt  }
0x63: {  	_ =	shalt  }
0x64: {  	_ =	shalt  }
0x65: {  	_ =	shalt  }
0x66: {  	_ =	shalt  }
0x67: {  	_ =	shalt  }
0x68: {  	_ =	shalt  }
0x69: {  	_ =	shalt  }
0x6a: {  	_ =	shalt  }
0x6b: {  	_ =	shalt  }
0x6c: {  	_ =	shalt  }
0x6d: {  	_ =	shalt  }
0x6e: {  	_ =	shalt  }
0x6f: {  	_ =	shalt  }
0x70: {  	_ =	shalt  }
0x71: {  	_ =	shalt  }
0x72: {  	_ =	shalt  }
0x73: {  	_ =	shalt  }
0x74: {  	_ =	shalt  }
0x75: {  	_ =	shalt  }
0x76: {  	_ =	shalt  }
0x77: {  	_ =	shalt  }
0x78: {  	_ =	shalt  }
0x79: {  	_ =	shalt  }
0x7a: {  	_ =	shalt  }
0x7b: {  	_ =	shalt  }
0x7c: {  	_ =	shalt  }
0x7d: {  	_ =	shalt  }
0x7e: {  	_ =	shalt  }
0x7f: {  	_ =	shalt  }
0x80: {  	_ =	shalt  }
0x81: {  	_ =	shalt  }
0x82: {  	_ =	shalt  }
0x83: {  	_ =	shalt  }
0x84: {  	_ =	shalt  }
0x85: {  	_ =	shalt  }
0x86: {  	_ =	shalt  }
0x87: {  	_ =	shalt  }
.Lfunc_end0:
.L_simem_size_0:
called_computation_lowered:
.L_overlay_start_0:
0x88: {  	s2 =	sld [smem:$0x3FD9]  }
0x89: {  	s3 =	sld [smem:$0x3FFE];
	_ =	sdelay $0x1  }
0x8a: {  	s1 =	srdreg.scid  }
0x8b: {  	s0 =	sand.u32 $0x1, s1  }
0x8c: {  	s17 =	sshll.u32 s0, $0xA;
	s2 =	sadd.s32 s3, s2  }
0x8d: {  	s2 =	sadd.s32 s2, s17  }
0x8e: {  	[smem:$0x3FC7] =	sst s2  }
0x8f: {  	_ = 	snop  }
0x90: {  	s2 =	sld [smem:$0x3FD0];
	(tm) =	ssettm $0x1  }
0x91: {  	s18 =	sld [smem:$0x3FFB];
	_ =	sdelay $0x3  }
0x92: {  	_ =	strace s18  }
0x93: {  	s3 =	sld [smem:$0x3FFC];
	_ =	sdelay $0x3  }
0x94: {  	_ =	strace s3  }
0x95: {  	s3 =	sld [smem:$0x3FFD];
	_ =	sdelay $0x3  }
0x96: {  	_ =	strace s3  }
0x97: {  	_ =	strace $0x8FFFFFFF  }
0x98: {  	s19 =	sld [smem:$0x3FDB];
	_ =	sdelay $0x1  }
0x99: {  	s4 =	simm.s32 $_scs_section_size  }
0x9a: {  	s5 =	simm.s32 $_size__tile_overlayer_lowered;
	s6 =	simm.s32 $_tile_overlayer_lowered  }
0x9b: {  	s22 =	simm.s32 $0x1BFF;
	s21 =	sshll.u32 s6, $0x1;
	s3 =	sadd.s32 s4, s19  }
0x9c: {  	s7 =	simm.s32 $0x0;
	s20 =	sshll.u32 s5, $0x1;
	s5 =	sadd.s32 s21, s3  }
0x9d: {  	[timem:s7], [sflag:s22] =	dma.local [hbm:s5], s20  }
0x9e: {  	_ =	swait.ge [sflag:s22], s20  }
0x9f: {  	s4 =	ssub.s32 $0x0, s20;
	[sflag:s22] =	ssyncset.done $0x0  }
0xa0: {  	[sflag:s22] =	ssyncadd.s32 s4;
	_ =	sdelay $0x1  }
0xa1: {  	s23 =	simm.s32 $0x1B8B  }
0xa2: {  	_ =	swait.ge [sflag:s23], $0x1  }
0xa3: {  	[sflag:s23] =	ssyncset.done $0x0  }
0xa4: {  	s25 =	simm.s32 $0x1B8E;
	s24 =	sld [smem:$0x3FFE];
	[sflag:s23] =	ssyncadd.s32 $0xFFFFFFFF  }
0xa5: {  	s26 =	simm.s32 $execute0_lowered;
	[smem:$0x3FD2] =	sst s25  }
0xa6: {  	s5 =	sshll.u32 s26, $0x1;
	_ =	strace $0x80000046;
	[dreg:$0x1] =	wrdreg $0xFFFFFFFF  }
0xa7: {  	s28 =	simm.s32 $_size_execute0_lowered;
	s3 =	sadd.s32 s3, s5;
	[dreg:$0x0] =	wrdreg $0x0  }
0xa8: {  	s5 =	sshll.u32 s28, $0x1;
	[dreg:$0x2] =	wrdreg s3  }
0xa9: {  	[dreg:$0x3] =	wrdreg s5  }
0xaa: {  	[dreg:$0x4] =	wrdreg $0xC0  }
0xab: {  	_ =	task [dreg:s7], $0x5FFFF  }
0xac: {  	[dreg:$0x1] =	wrdreg $0xFFFFFFFF  }
0xad: {  	[dreg:$0x0] =	wrdreg $0x60  }
0xae: {  	[dreg:$0x2] =	wrdreg s24  }
0xaf: {  	[dreg:$0x3] =	wrdreg s2  }
0xb0: {  	[dreg:$0x4] =	wrdreg $0x9  }
0xb1: {  	_ =	task.clear_ibuf [dreg:s7], $0x5FFFF;
	_ =	strace $0x90000046  }
0xb2: {  	s29 =	simm.s32 $0x9;
	_ =	strace $0x80000048  }
0xb3: {  	_ =	swait.ge [sflag:s29], $0x1  }
0xb4: {  	[sflag:s29] =	ssyncadd.s32 $0xFFFFFFFF  }
0xb5: {  	_ =	strace $0x90000048  }
0xb6: {  	_ =	sfence  }
0xb7: {  	s30 =	sld [smem:$0x0];
	_ =	sdelay $0x2  }
0xb8: {  	s31 =	sshll.u32 s1, $0xD;
	s1 =	sshrl.u32 s1, $0x2  }
0xb9: {  	s3 =	sand.u32 $0x4000, s31;
	s1 =	sadd.s32 s1, s30  }
0xba: {  	s0 =	sor.u32 s3, s0;
	s1 =	sshll.u32 s1, $0x11  }
0xbb: {  	s0 =	sor.u32 s1, s0  }
0xbc: {  	s0 =	sadd.s32 $0x8F2B, s0  }
0xbd: {  	[sflag:s0] =	ssyncadd.remote.s32 $0x1  }
0xbe: {  	_ =	sfence.sel $0xFFFF  }
0xbf: {  	[dreg:$0x0] =	wrdreg $0xFFFFFFFF;
	(pc) =	sbr.abs _section_cstart, $3  }
0xc0: {  	[dreg:$0x1] =	wrdreg $0xFFFFFFFF  }
0xc1: {  	_ =	task.clear_ibuf [dreg:s7], $0x2FFFF;
	_ =	strace $0x9FFFFFFF  }
0xc2: {  	(tm) =	ssettm $0x7FFFFFFF  }
0xc3: {  	_ =	shalt  }
tec
execute0_lowered:
.L_overlay_start_1:
0x0: {  	(tag) =	ssettag $0x1  }
0x1: {  	s3 =	rddreg [dreg:$0x0]  }
0x2: {  	s0 =	srdreg.scid;
	s4 =	rddreg [dreg:$0x1]  }
0x3: {  	s1 =	stileid.u32;
	s2 =	simm.s32 $0x0;
	s9 =	simm.s32 $0x1  }
0x4: {  	s10 =	simm.s32 $0x640;
	s11 =	simm.s32 $0x80;
	s12 =	simm.s32 $0x3  }
0x5: {  	s13 =	simm.s32 $0x2;
	s14 =	simm.s32 $0x0;
	s5 =	sand.u32 $0x1, s0  }
0x6: {  	s0 =	rddreg [dreg:$0x2];
	s6 =	sshll.u32 s1, $0x6;
	s7 =	sshll.u32 s5, $0x5  }
0x7: {  	s30 =	sshll.u32 s1, $0x9;
	[smem:$0x7FF] =	sst s2;
	s6 =	sor.u32 s7, s6  }
0x8: {  	_ =	strace $0x80000047;
	s5 =	ssub.s32 $0x2, s5;
	s7 =	sor.u32 s30, s6  }
0x9: {  	s8 =	sshrl.u32 s5, $0x1;
	s6 =	sshrl.u32 s6, $0x3;
	s7 =	sand.u32 $0x1C60, s7  }
0xa: {  	s31 =	ssub.s32 s5, s8;
	s6 =	sadd.s32 s6, s3;
	s7 =	sshrl.u32 s7, $0x3  }
0xb: {  	v0 =	vlaneseq.u32;
	s8 =	simm.s32 $0x400;
	s3 =	sadd.s32 s4, s7;
	s4 =	sadd.s32 $0x400, s6  }
0xc: {  	v1 =	vimm.f32 $0.0e+00;
	v2 =	vimm.f32 $1.000000000e+00;
	v3 =	vor.u32 $0x10, v0;
	s6 =	smax.u32 s31, $0x1;
	s7 =	simm.s32 $0x20;
	s5 =	sadd.s32 $0x11400, s3  }
.LBB2_1:
0xd: {  	[tilespmem:s2], [sflag:$0x1] =	stream.strided.gather [hbm4b:s4+s7], $0x640, s8, s7, $0x38;
	[tilespmem:$0x9040] =	vst v63  }
0xe: {  	s15 =	simm.s32 $0x6C0  }
0xf: {  	[tilespmem:s15+$0xFFFFFF80] =	vst v1  }
0x10: {  	[tilespmem:s15+$0x70] =	vst v1  }
0x11: {  	[tilespmem:s15+$0x60] =	vst v1  }
0x12: {  	[tilespmem:s15+$0x50] =	vst v1  }
0x13: {  	[tilespmem:s15+$0x40] =	vst v1  }
0x14: {  	[tilespmem:s15+$0x30] =	vst v1  }
0x15: {  	[tilespmem:s15+$0x20] =	vst v1  }
0x16: {  	[tilespmem:s15+$0x10] =	vst v1  }
0x17: {  	[tilespmem:s15+$0x0] =	vst v1  }
0x18: {  	[tilespmem:s15+$0xFFFFFFF0] =	vst v1  }
0x19: {  	[tilespmem:s15+$0xFFFFFFE0] =	vst v1  }
0x1a: {  	[tilespmem:s15+$0xFFFFFFD0] =	vst v1  }
0x1b: {  	[tilespmem:s15+$0xFFFFFFC0] =	vst v1  }
0x1c: {  	[tilespmem:s15+$0xFFFFFFB0] =	vst v1  }
0x1d: {  	s16 =	simm.s32 $0x0;
	[tilespmem:s15+$0xFFFFFFA0] =	vst v1  }
.LBB2_2:
0x1e: {  	s16 =	sadd.s32 $0x8, s16;
	[tilespmem:s15+$0xFFFFFF90] =	vst v1;
	s15 =	sadd.s32 $0x100, s15  }
0x1f: {  	[tilespmem:s15+$0xFFFFFF80] =	vst v1;
	p0 =	slt.u32 s16, $0x448  }
0x20: {  	[tilespmem:s15+$0x70] =	vst v1  }
0x21: {  	[tilespmem:s15+$0x60] =	vst v1  }
0x22: {  	[tilespmem:s15+$0x50] =	vst v1  }
0x23: {  	[tilespmem:s15+$0x40] =	vst v1  }
0x24: {  	[tilespmem:s15+$0x30] =	vst v1  }
0x25: {  	[tilespmem:s15+$0x20] =	vst v1  }
0x26: {  	[tilespmem:s15+$0x10] =	vst v1  }
0x27: {  	[tilespmem:s15+$0x0] =	vst v1  }
0x28: {  	[tilespmem:s15+$0xFFFFFFF0] =	vst v1  }
.Ltmp0:
0x29: {  	[tilespmem:s15+$0xFFFFFFE0] =	vst v1;
	(pc) =	sbr.rel @p0 .LBB2_2-.Ltmp0, $4  }
0x2a: {  	[tilespmem:s15+$0xFFFFFFD0] =	vst v1  }
0x2b: {  	[tilespmem:s15+$0xFFFFFFC0] =	vst v1  }
0x2c: {  	[tilespmem:s15+$0xFFFFFFB0] =	vst v1  }
0x2d: {  	[tilespmem:s15+$0xFFFFFFA0] =	vst v1  }
0x2e: {  	[tilespmem:s15+$0xFFFFFF90] =	vst v1  }
0x2f: {  	_ =	swait.ge [sflag:s9], $0x640  }
0x30: {  	[sflag:s9] =	ssyncset.done $0x0  }
0x31: {  	s30 =	simm.s32 $0x40;
	[sflag:s9] =	ssyncadd.s32 $0xFFFFF9C0  }
0x32: {  	v9 =	vld [tilespmem:s30+$0x20]  }
0x33: {  	v4 =	vld [tilespmem:s30+$0xFFFFFFC0]  }
0x34: {  	v5 =	vld [tilespmem:s30+$0x0]  }
0x35: {  	v6 =	vld [tilespmem:s30+$0xFFFFFFE0];
	_ =	sdelay $0x1  }
0x36: {  	v11 =	vld [tilespmem:s30+$0x40];
	_ =	sdelay $0x1  }
0x37: {  	v10 =	vadd.s32 $0xFFFFFFFF, v4  }
0x38: {  	v7 =	vadd.s32 $0xFFFFFFFF, v9;
	v8 =	vadd.s32 $0xFFFFFFFF, v5;
	v12 =	vadd.s32 $0xFFFFFFFF, v6  }
0x39: {  	vm2 =	vgt.s32 v6, $0x0;
	vm4 =	vgt.s32 v4, $0x0;
	vm5 =	vgt.s32 v5, $0x0  }
0x3a: {  	s31 =	simm.s32 $0xE0;
	v14 =	vadd.s32 $0xFFFFFFFF, v11;
	vm0 =	vgt.s32 v7, $0x0;
	vm3 =	vgt.s32 v8, $0x0  }
0x3b: {  	v13 =	vnsel vm0, $0x0, v7;
	vm0 =	vgt.s32 v12, $0x0;
	v7 =	vld [tilespmem:s31+$0xFFFFFFC0];
	v8 =	vnsel vm3, $0x0, v8  }
0x3c: {  	v6 =	vld [tilespmem:s31+$0x20];
	v4 =	vnsel vm0, $0x0, v12;
	v5 =	vshll.u32 v13, $0x5;
	v12 =	vshll.u32 v8, $0x5  }
0x3d: {  	vm1 =	vgt.s32 v10, $0x0;
	v8 =	vor.u32 v0, v5;
	v5 =	vor.u32 v0, v12;
	v12 =	vld [tilespmem:s31+$0x0]  }
0x3e: {  	vm3 =	vgt.s32 v14, $0x0;
	vm0 =	vgt.s32 v9, $0x0;
	v13 =	vnsel vm1, $0x0, v10  }
0x3f: {  	vm1 =	vgt.s32 v11, $0x0;
	v10 =	vld [tilespmem:s31+$0xFFFFFFE0];
	v15 =	vnsel vm3, $0x0, v14;
	v4 =	vshll.u32 v4, $0x5  }
0x40: {  	v13 =	vshll.u32 v13, $0x5;
	v15 =	vshll.u32 v15, $0x5;
	v9 =	vadd.s32 $0xFFFFFFFF, v7  }
0x41: {  	s16 =	simm.s32 $0x5;
	s17 =	simm.s32 $0x180;
	v11 =	vld [tilespmem:s31+$0x40];
	v4 =	vor.u32 v0, v4;
	v14 =	vadd.s32 $0xFFFFFFFF, v6;
	vm3 =	vgt.s32 v9, $0x0  }
.LBB2_4:
0x42: {  	v17 =	vadd.s32 $0xFFFFFFFF, v12;
	vm8 =	vgt.s32 v14, $0x0;
	v15 =	vor.u32 v0, v15  }
0x43: {  	v16 =	vld [tilespmem:s17+$0x20];
	s16 =	sadd.s32 $0x5, s16;
	s15 =	simm.s32 $0x50;
	vm6 =	vmmov vm2;
	vm7 =	vmmov vm4;
	vm9 =	vmmov vm5  }
0x44: {  	v19 =	vadd.s32 $0xFFFFFFFF, v10;
	v13 =	vor.u32 v0, v13;
	v18 =	vld [tilespmem:s17+$0x0];
	p0 =	slt.u32 s16, $0x2D;
	v14 =	vnsel vm8, $0x0, v14  }
0x45: {  	vm2 =	vgt.s32 v10, $0x0;
	vm5 =	vgt.s32 v19, $0x0;
	vm8 =	vgt.s32 v17, $0x0;
	v10 =	vld [tilespmem:s17+$0xFFFFFFE0]  }
0x46: {  	vm4 =	vgt.s32 v7, $0x0;
	v19 =	vnsel vm5, $0x0, v19;
	v17 =	vnsel vm8, $0x0, v17;
	v7 =	vld [tilespmem:s17+$0xFFFFFFC0]  }
0x47: {  	vm5 =	vgt.s32 v12, $0x0;
	v12 =	vshll.u32 v14, $0x5;
	v19 =	vshll.u32 v19, $0x5;
	[tilespmem:v8+s10+$0x0] =	vst.idx.add.f32.msk vm0, v2  }
.Ltmp1:
0x48: {  	v17 =	vshll.u32 v17, $0x5;
	v14 =	vor.u32 v0, v19;
	v8 =	vor.u32 v0, v12;
	[tilespmem:v15+s10+$0x0] =	vst.idx.add.f32.msk vm1, v2;
	(pc) =	sbr.rel @p0 .LBB2_4-.Ltmp1, $4  }
0x49: {  	vm0 =	vgt.s32 v6, $0x0;
	v15 =	vadd.s32 $0xFFFFFFFF, v11;
	v6 =	vmovc v16;
	[tilespmem:v5+s10+$0x0] =	vst.idx.add.f32.msk vm9, v2;
	v5 =	vor.u32 v0, v17  }
0x4a: {  	v16 =	vnsel vm3, $0x0, v9;
	vm1 =	vgt.s32 v11, $0x0;
	vm3 =	vgt.s32 v15, $0x0;
	v12 =	vmovc v18;
	[tilespmem:v13+s10+$0x0] =	vst.idx.add.f32.msk vm7, v2  }
0x4b: {  	v13 =	vshll.u32 v16, $0x5;
	v15 =	vnsel vm3, $0x0, v15;
	v9 =	vadd.s32 $0xFFFFFFFF, v7;
	[tilespmem:v4+s10+$0x0] =	vst.idx.add.f32.msk vm6, v2;
	v4 =	vmovc v14  }
0x4c: {  	v14 =	vadd.s32 $0xFFFFFFFF, v6;
	v15 =	vshll.u32 v15, $0x5;
	vm3 =	vgt.s32 v9, $0x0;
	v11 =	vld [tilespmem:s17+$0x40];
	s17 =	sadd.s32 $0xA0, s17  }
0x4d: {  	v16 =	vadd.s32 $0xFFFFFFFF, v12  }
0x4e: {  	vm6 =	vgt.s32 v14, $0x0;
	v15 =	vor.u32 v0, v15;
	vm2 =	vmmov vm2  }
0x4f: {  	vm4 =	vmmov vm4;
	vm5 =	vmmov vm5;
	v17 =	vadd.s32 $0xFFFFFFFF, v10  }
0x50: {  	v13 =	vor.u32 v0, v13;
	vm7 =	vgt.s32 v10, $0x0;
	vm9 =	vgt.s32 v7, $0x0  }
0x51: {  	vm15 =	vgt.s32 v6, $0x0;
	v14 =	vnsel vm6, $0x0, v14;
	vm6 =	vgt.s32 v17, $0x0  }
0x52: {  	v9 =	vnsel vm3, $0x0, v9;
	vm8 =	vgt.s32 v16, $0x0;
	v7 =	vnsel vm6, $0x0, v17  }
0x53: {  	v10 =	vnsel vm8, $0x0, v16;
	vm6 =	vgt.s32 v12, $0x0;
	v12 =	vshll.u32 v14, $0x5  }
0x54: {  	[tilespmem:v8+s10+$0x0] =	vst.idx.add.f32.msk vm0, v2;
	v10 =	vshll.u32 v10, $0x5;
	v6 =	vor.u32 v0, v12;
	v16 =	vadd.s32 $0xFFFFFFFF, v11  }
0x55: {  	v7 =	vshll.u32 v7, $0x5;
	v10 =	vor.u32 v0, v10;
	vm14 =	vgt.s32 v16, $0x0;
	[tilespmem:v15+s10+$0x0] =	vst.idx.add.f32.msk vm1, v2  }
0x56: {  	v7 =	vor.u32 v0, v7;
	v14 =	vnsel vm14, $0x0, v16;
	[tilespmem:v5+s10+$0x0] =	vst.idx.add.f32.msk vm5, v2;
	v5 =	vshll.u32 v9, $0x5  }
0x57: {  	vm0 =	vgt.s32 v11, $0x0;
	[tilespmem:v13+s10+$0x0] =	vst.idx.add.f32.msk vm4, v2;
	v8 =	vshll.u32 v14, $0x5;
	v5 =	vor.u32 v0, v5  }
0x58: {  	[tilespmem:v4+s10+$0x0] =	vst.idx.add.f32.msk vm2, v2;
	v8 =	vor.u32 v0, v8  }
0x59: {  	[tilespmem:v6+s10+$0x0] =	vst.idx.add.f32.msk vm15, v2  }
0x5a: {  	[tilespmem:v10+s10+$0x0] =	vst.idx.add.f32.msk vm6, v2  }
0x5b: {  	[tilespmem:v7+s10+$0x0] =	vst.idx.add.f32.msk vm7, v2  }
0x5c: {  	[tilespmem:v5+s10+$0x0] =	vst.idx.add.f32.msk vm9, v2  }
0x5d: {  	[tilespmem:v8+s10+$0x0] =	vst.idx.add.f32.msk vm0, v2  }
0x5e: {  	v9 =	vld [tilespmem:s15+$0x20]  }
0x5f: {  	v4 =	vld [tilespmem:s15+$0xFFFFFFC0]  }
0x60: {  	v5 =	vld [tilespmem:s15+$0x0]  }
0x61: {  	v6 =	vld [tilespmem:s15+$0xFFFFFFE0];
	_ =	sdelay $0x1  }
0x62: {  	v11 =	vld [tilespmem:s15+$0x40]  }
0x63: {  	vm3 =	vmmov vm9  }
0x64: {  	vm1 =	vmmov vm6;
	vm4 =	vmmov vm7;
	v10 =	vadd.s32 $0xFFFFFFFF, v4  }
0x65: {  	v7 =	vadd.s32 $0xFFFFFFFF, v9;
	v8 =	vadd.s32 $0xFFFFFFFF, v5;
	v12 =	vadd.s32 $0xFFFFFFFF, v6  }
0x66: {  	vm2 =	vgt.s32 v6, $0x0;
	vm4 =	vgt.s32 v4, $0x0;
	vm5 =	vgt.s32 v5, $0x0  }
0x67: {  	s16 =	simm.s32 $0xF0;
	v14 =	vadd.s32 $0xFFFFFFFF, v11;
	vm0 =	vgt.s32 v7, $0x0;
	vm3 =	vgt.s32 v8, $0x0  }
0x68: {  	v13 =	vnsel vm0, $0x0, v7;
	vm0 =	vgt.s32 v12, $0x0;
	v7 =	vld [tilespmem:s16+$0xFFFFFFC0];
	v8 =	vnsel vm3, $0x0, v8  }
0x69: {  	v6 =	vld [tilespmem:s16+$0x20];
	v4 =	vnsel vm0, $0x0, v12;
	v5 =	vshll.u32 v13, $0x5;
	v12 =	vshll.u32 v8, $0x5  }
0x6a: {  	vm1 =	vgt.s32 v10, $0x0;
	v8 =	vor.u32 v3, v5;
	v5 =	vor.u32 v3, v12;
	v12 =	vld [tilespmem:s16+$0x0]  }
0x6b: {  	vm3 =	vgt.s32 v14, $0x0;
	vm0 =	vgt.s32 v9, $0x0;
	v13 =	vnsel vm1, $0x0, v10  }
0x6c: {  	vm1 =	vgt.s32 v11, $0x0;
	v10 =	vld [tilespmem:s16+$0xFFFFFFE0];
	v15 =	vnsel vm3, $0x0, v14;
	v4 =	vshll.u32 v4, $0x5  }
0x6d: {  	v13 =	vshll.u32 v13, $0x5;
	v15 =	vshll.u32 v15, $0x5;
	v9 =	vadd.s32 $0xFFFFFFFF, v7  }
0x6e: {  	s15 =	simm.s32 $0x5;
	v11 =	vld [tilespmem:s16+$0x40];
	s16 =	simm.s32 $0x190;
	v4 =	vor.u32 v3, v4;
	v14 =	vadd.s32 $0xFFFFFFFF, v6;
	vm3 =	vgt.s32 v9, $0x0  }
.LBB2_6:
0x6f: {  	v17 =	vadd.s32 $0xFFFFFFFF, v12;
	vm8 =	vgt.s32 v14, $0x0;
	v15 =	vor.u32 v3, v15  }
0x70: {  	v16 =	vld [tilespmem:s16+$0x20];
	s15 =	sadd.s32 $0x5, s15;
	vm6 =	vmmov vm2;
	vm7 =	vmmov vm4;
	vm9 =	vmmov vm5  }
0x71: {  	v19 =	vadd.s32 $0xFFFFFFFF, v10;
	v13 =	vor.u32 v3, v13;
	v18 =	vld [tilespmem:s16+$0x0];
	p0 =	slt.u32 s15, $0x2D;
	v14 =	vnsel vm8, $0x0, v14  }
0x72: {  	vm2 =	vgt.s32 v10, $0x0;
	vm5 =	vgt.s32 v19, $0x0;
	vm8 =	vgt.s32 v17, $0x0;
	v10 =	vld [tilespmem:s16+$0xFFFFFFE0]  }
0x73: {  	vm4 =	vgt.s32 v7, $0x0;
	v19 =	vnsel vm5, $0x0, v19;
	v17 =	vnsel vm8, $0x0, v17;
	v7 =	vld [tilespmem:s16+$0xFFFFFFC0]  }
0x74: {  	vm5 =	vgt.s32 v12, $0x0;
	v12 =	vshll.u32 v14, $0x5;
	v19 =	vshll.u32 v19, $0x5;
	[tilespmem:v8+s10+$0x0] =	vst.idx.add.f32.msk vm0, v2  }
.Ltmp2:
0x75: {  	v17 =	vshll.u32 v17, $0x5;
	v14 =	vor.u32 v3, v19;
	v8 =	vor.u32 v3, v12;
	[tilespmem:v15+s10+$0x0] =	vst.idx.add.f32.msk vm1, v2;
	(pc) =	sbr.rel @p0 .LBB2_6-.Ltmp2, $4  }
0x76: {  	vm0 =	vgt.s32 v6, $0x0;
	v15 =	vadd.s32 $0xFFFFFFFF, v11;
	v6 =	vmovc v16;
	[tilespmem:v5+s10+$0x0] =	vst.idx.add.f32.msk vm9, v2;
	v5 =	vor.u32 v3, v17  }
0x77: {  	v16 =	vnsel vm3, $0x0, v9;
	vm1 =	vgt.s32 v11, $0x0;
	vm3 =	vgt.s32 v15, $0x0;
	v12 =	vmovc v18;
	[tilespmem:v13+s10+$0x0] =	vst.idx.add.f32.msk vm7, v2  }
0x78: {  	v13 =	vshll.u32 v16, $0x5;
	v15 =	vnsel vm3, $0x0, v15;
	v9 =	vadd.s32 $0xFFFFFFFF, v7;
	[tilespmem:v4+s10+$0x0] =	vst.idx.add.f32.msk vm6, v2;
	v4 =	vmovc v14  }
0x79: {  	v14 =	vadd.s32 $0xFFFFFFFF, v6;
	v15 =	vshll.u32 v15, $0x5;
	vm3 =	vgt.s32 v9, $0x0;
	v11 =	vld [tilespmem:s16+$0x40];
	s16 =	sadd.s32 $0xA0, s16  }
0x7a: {  	v16 =	vadd.s32 $0xFFFFFFFF, v12  }
0x7b: {  	vm6 =	vgt.s32 v14, $0x0;
	v15 =	vor.u32 v3, v15;
	vm2 =	vmmov vm2  }
0x7c: {  	vm4 =	vmmov vm4;
	vm5 =	vmmov vm5;
	v17 =	vadd.s32 $0xFFFFFFFF, v10  }
0x7d: {  	v13 =	vor.u32 v3, v13;
	vm7 =	vgt.s32 v10, $0x0;
	vm9 =	vgt.s32 v7, $0x0  }
0x7e: {  	v9 =	vnsel vm3, $0x0, v9;
	v14 =	vnsel vm6, $0x0, v14;
	vm14 =	vgt.s32 v17, $0x0  }
0x7f: {  	vm8 =	vgt.s32 v16, $0x0;
	vm6 =	vgt.s32 v12, $0x0;
	v57 =	vnsel vm14, $0x0, v17  }
0x80: {  	v58 =	vnsel vm8, $0x0, v16;
	v60 =	vshll.u32 v14, $0x5;
	vm8 =	vgt.s32 v6, $0x0  }
0x81: {  	[tilespmem:v8+s10+$0x0] =	vst.idx.add.f32.msk vm0, v2;
	v10 =	vshll.u32 v58, $0x5;
	v62 =	vor.u32 v3, v60;
	v59 =	vadd.s32 $0xFFFFFFFF, v11  }
0x82: {  	v7 =	vshll.u32 v57, $0x5;
	v10 =	vor.u32 v3, v10;
	vm15 =	vgt.s32 v59, $0x0;
	[tilespmem:v15+s10+$0x0] =	vst.idx.add.f32.msk vm1, v2  }
0x83: {  	v7 =	vor.u32 v3, v7;
	v61 =	vnsel vm15, $0x0, v59;
	[tilespmem:v5+s10+$0x0] =	vst.idx.add.f32.msk vm5, v2;
	v5 =	vshll.u32 v9, $0x5  }
0x84: {  	vm12 =	vgt.s32 v11, $0x0;
	[tilespmem:v13+s10+$0x0] =	vst.idx.add.f32.msk vm4, v2;
	v63 =	vshll.u32 v61, $0x5;
	v5 =	vor.u32 v3, v5  }
0x85: {  	[tilespmem:v4+s10+$0x0] =	vst.idx.add.f32.msk vm2, v2;
	v8 =	vor.u32 v3, v63  }
0x86: {  	[tilespmem:v62+s10+$0x0] =	vst.idx.add.f32.msk vm8, v2  }
0x87: {  	[tilespmem:v10+s10+$0x0] =	vst.idx.add.f32.msk vm6, v2  }
0x88: {  	[tilespmem:v7+s10+$0x0] =	vst.idx.add.f32.msk vm7, v2  }
0x89: {  	[tilespmem:v5+s10+$0x0] =	vst.idx.add.f32.msk vm9, v2  }
0x8a: {  	s15 =	simm.s32 $0x400;
	s16 =	simm.s32 $0x640;
	s17 =	sadd.s32 $0x0, s3;
	vm13 =	vmmov vm6;
	vm14 =	vmmov vm9;
	vm15 =	vmmov vm7;
	[tilespmem:v8+s10+$0x0] =	vst.idx.add.f32.msk vm12, v2  }
.LBB2_8:
0x8b: {  	[hbm4b:s17+s7] =	stream.strided.scatter [tilespmem:s16], [sflag:$0x2], $0x100, s11, s7, $0x38;
	[tilespmem:$0x9040] =	vst v63  }
0x8c: {  	s17 =	smov.u32 s15;
	p0 =	sne.s32 s15, $0x11000  }
.Ltmp3:
0x8d: {  	s15 =	sadd.s32 $0x400, s15;
	(pc) =	sbr.rel @p0 .LBB2_8-.Ltmp3, $3  }
0x8e: {  	_ =	sdelay $0x1  }
0x8f: {  	s16 =	sshra.s32 s17, $0x2  }
0x90: {  	s17 =	sadd.s32 s17, s3;
	s16 =	sadd.s32 $0x640, s16  }
0x91: {  	[hbm4b:s17+s7] =	stream.strided.scatter [tilespmem:s16], [sflag:$0x2], $0x100, s11, s7, $0x38;
	[tilespmem:$0x9040] =	vst v63  }
0x92: {  	s15 =	simm.s32 $0x400;
	s16 =	simm.s32 $0x4B40;
	s17 =	sadd.s32 $0x0, s5  }
.LBB2_10:
0x93: {  	[hbm4b:s17+s7] =	stream.strided.scatter [tilespmem:s16], [sflag:$0x3], $0x100, s11, s7, $0x38;
	[tilespmem:$0x9040] =	vst v63  }
0x94: {  	s17 =	smov.u32 s15;
	p0 =	sne.s32 s15, $0x11000  }
.Ltmp4:
0x95: {  	s15 =	sadd.s32 $0x400, s15;
	(pc) =	sbr.rel @p0 .LBB2_10-.Ltmp4, $3  }
0x96: {  	_ =	sdelay $0x1  }
0x97: {  	s16 =	sshra.s32 s17, $0x2  }
0x98: {  	s17 =	sadd.s32 s17, s5;
	s16 =	sadd.s32 $0x4B40, s16  }
0x99: {  	[hbm4b:s17+s7] =	stream.strided.scatter [tilespmem:s16], [sflag:$0x3], $0x100, s11, s7, $0x38;
	[tilespmem:$0x9040] =	vst v63  }
0x9a: {  	s14 =	sadd.s32 $0x1, s14  }
0x9b: {  	_ =	swait.ge [sflag:s12], $0x4500;
	p0 =	sne.s32 s14, s6  }
.Ltmp5:
0x9c: {  	[sflag:s12] =	ssyncset.done $0x0;
	(pc) =	sbr.rel @p0 .LBB2_1-.Ltmp5, $4  }
0x9d: {  	[sflag:s12] =	ssyncadd.s32 $0xFFFFBB00  }
0x9e: {  	_ =	swait.ge [sflag:s13], $0x4500  }
0x9f: {  	[sflag:s13] =	ssyncset.done $0x0  }
0xa0: {  	[sflag:s13] =	ssyncadd.s32 $0xFFFFBB00  }
0xa1: {  	_ =	sfence.sel $0x180000  }
0xa2: {  	[bflag:$0x0] =	sbarrier.arrive $0xFFFF  }
0xa3: {  	p0 =	sne.s32 s1, $0x0;
	_ =	strace $0x90000047  }
0xa4: {  	s0 =	sadd.s32 @!p0 $0x100000, s0;
	[bflag:$0x2] =	sbarrier.arrive $0xFFFF  }
0xa5: {  	[sflag:s0] =	ssyncadd.tile.s32 @!p0 $0x1;
	_ =	shalt  }
.Lfunc_end2:
_tile_overlayer_lowered:
.L_overlay_start_2:
0xa6: {  	(tag) =	ssettag $0x2  }
0xa7: {  	s0 =	rddreg [dreg:$0x0];
	s2 =	stileid.u32  }
0xa8: {  	s1 =	rddreg [dreg:$0x1];
	p0 =	sne.s32 s2, $0x0  }
0xa9: {  	s3 =	rddreg [dreg:$0x2];
	[bflag:$0x3] =	sbarrier.arrive $0xFFFF;
	s2 =	simm.s32 @!p0 $0x1C03  }
0xaa: {  	[timem:s3], [sflag:s2] =	dma.local @!p0 [hbm:s0], s1  }
0xab: {  	s0 =	simm.s32 @!p0 $0x3  }
0xac: {  	_ =	swait.ge @!p0 [sflag:s0], s1  }
0xad: {  	s1 =	ssub.s32 @!p0 $0x0, s1;
	[sflag:s0] =	ssyncset.done @!p0 $0x0  }
0xae: {  	[sflag:s0] =	ssyncadd.s32 @!p0 s1  }
0xaf: {  	[bflag:$0x3] =	sbarrier.arrive $0xFFFF  }
0xb0: {  	_ =	shalt  }

</sc_bundles>
